<compile_context>
chip_gen: v7x
topology: tpu7x:2x2x1
jax: 0.10.2.dev20260603
libtpu: 0.0.44.dev20260713+nightly
codegen_flags: <defaults>
</compile_context>

<pallas_src>
import jax
import jax.numpy as jnp
from jax.experimental import pallas as pl
from jax.experimental.pallas import tpu as pltpu

_N = 4096
_K = 12
_R = 128
_C = 384
_G = 32
_BB = 16
_H = 16


def _body(w1_ref, b1_ref, w2_ref, b2_ref,
          m_ref, s_ref, ok_ref, okt_ref, b1m_ref, b2m_ref, rep_ref,
          om_ref, os_ref):
    m3 = m_ref[...].reshape(_BB, _R, _C)

    u384 = jnp.sum(m3, axis=1)
    util = jnp.dot(u384, ok_ref[...],
                   preferred_element_type=jnp.float32) * (1.0 / _N)

    gpre = jnp.zeros(util.shape, jnp.float32) + b2_ref[0]
    for j in range(_H):
        hj = jnp.maximum(util * w1_ref[j] + b1_ref[j], 0.0)
        gpre = gpre + hj * w2_ref[j]
    gates = 1.0 / (1.0 + jnp.exp(-gpre))

    gbig = jnp.dot(gates, rep_ref[...],
                   preferred_element_type=jnp.float32)
    os_ref[...] = s_ref[...] * gbig

    gpat = jnp.dot(gates, okt_ref[...],
                   preferred_element_type=jnp.float32)
    sm = m3 * gpat[:, None, :]
    smf = sm.reshape(_BB * _R, _C)
    d32 = jnp.dot(smf, b1m_ref[...],
                  preferred_element_type=jnp.float32)
    r32 = 1.0 / (d32 + 1e-8)
    dinv = jnp.dot(r32, b2m_ref[...],
                   preferred_element_type=jnp.float32)
    om_ref[...] = (smf * dinv).reshape(_BB, _C, _R)


def kernel(slots, masks, w1, b1, w2, b2):
    B = masks.shape[0]
    masks_r = masks.reshape(B, _C, _R)
    slots_f = slots.reshape(B, _K * 64)

    lane = jnp.arange(_C, dtype=jnp.int32)
    onehot_k = (lane[:, None] % _K == jnp.arange(_K)[None, :]).astype(jnp.float32)
    onehot_kt = onehot_k.T
    b1m = (lane[:, None] // _K == jnp.arange(_G)[None, :]).astype(jnp.float32)
    b2m = b1m.T
    lane768 = jnp.arange(_K * 64, dtype=jnp.int32)
    rep = (jnp.arange(_K)[:, None] == lane768[None, :] // 64).astype(jnp.float32)

    zero3 = lambda b: (b, 0, 0)
    zero2 = lambda b: (0, 0)
    row2 = lambda b: (b, 0)

    out_m, out_s = pl.pallas_call(
        _body,
        grid=(B // _BB,),
        in_specs=[
            pl.BlockSpec(memory_space=pltpu.SMEM),
            pl.BlockSpec(memory_space=pltpu.SMEM),
            pl.BlockSpec(memory_space=pltpu.SMEM),
            pl.BlockSpec(memory_space=pltpu.SMEM),
            pl.BlockSpec((_BB, _C, _R), zero3),
            pl.BlockSpec((_BB, _K * 64), row2),
            pl.BlockSpec((_C, _K), zero2),
            pl.BlockSpec((_K, _C), zero2),
            pl.BlockSpec((_C, _G), zero2),
            pl.BlockSpec((_G, _C), zero2),
            pl.BlockSpec((_K, _K * 64), zero2),
        ],
        out_specs=[
            pl.BlockSpec((_BB, _C, _R), zero3),
            pl.BlockSpec((_BB, _K * 64), row2),
        ],
        out_shape=[
            jax.ShapeDtypeStruct((B, _C, _R), jnp.float32),
            jax.ShapeDtypeStruct((B, _K * 64), jnp.float32),
        ],
        compiler_params=pltpu.CompilerParams(
            dimension_semantics=("arbitrary",),
        ),
    )(w1.reshape(_H), b1, w2.reshape(_H), b2,
      masks_r, slots_f, onehot_k, onehot_kt, b1m, b2m, rep)

    return out_s.reshape(B, _K, 64), out_m.reshape(B, _N, _K)

# --- scband reference (transcript-rebuilt; emitter-appended) ---
"""Pipeline reference for scband-adaptive-slot-pruning-25563645346561 (READ-ONLY COPY).

The authoritative reference and input builder live on the scoring server;
editing this copy changes nothing except your own understanding.
"""

import jax, jax.numpy as jnp
import numpy as np


def setup_inputs(seed: int = 0) -> dict:
    key = jax.random.key(seed)
    k1, k2, k3, k4 = jax.random.split(key, 4)
    B, K, D, N = 256, 12, 64, 4096
    slots = jax.random.normal(k1, (B, K, D), dtype=jnp.float32)
    masks = jax.random.uniform(k2, (B, N, K), dtype=jnp.float32)
    # gate_mlp params: Linear(1,16) -> ReLU -> Linear(16,1) -> Sigmoid
    w1 = jax.random.normal(k3, (1, 16), dtype=jnp.float32) * 1.0
    b1 = jnp.zeros((16,), dtype=jnp.float32)
    w2 = jax.random.normal(k4, (16, 1), dtype=jnp.float32) * 0.25
    b2 = jnp.zeros((1,), dtype=jnp.float32)
    return {"slots": slots, "masks": masks, "w1": w1, "b1": b1, "w2": w2, "b2": b2}


def reference(slots, masks, w1, b1, w2, b2):
    # compute_utilization: [B, K]
    N = masks.shape[1]
    utilization = masks.sum(axis=1) / N
    # soft_prune: gates via gate_mlp on utilization[..., None]
    util_input = utilization[..., None]  # [B, K, 1]
    h = jnp.maximum(util_input @ w1 + b1, 0.0)  # [B, K, 16]
    gates = jax.nn.sigmoid(h @ w2 + b2)[..., 0]  # [B, K]
    pruned_slots = slots * gates[..., None]  # [B, K, D]
    # reweight + renormalize masks
    pruned_masks = masks * gates[:, None, :]  # [B, N, K]
    mask_sum = pruned_masks.sum(axis=-1, keepdims=True)
    pruned_masks = pruned_masks / (mask_sum + 1e-08)
    return (pruned_slots, pruned_masks)

if __name__ == "__main__":
    import jax
    _d = setup_inputs()
    print(jax.jit(kernel)(*tuple(_d.values())))

</pallas_src>

<mosaic_0001>
module attributes {stable_mosaic.version = 14 : i64} {
  func.func @_body(%arg0: i32, %arg1: memref<16xf32, #tpu.memory_space<smem>>, %arg2: memref<16xf32, #tpu.memory_space<smem>>, %arg3: memref<16xf32, #tpu.memory_space<smem>>, %arg4: memref<1xf32, #tpu.memory_space<smem>>, %arg5: memref<16x384x128xf32, #tpu.memory_space<vmem>>, %arg6: memref<16x768xf32, #tpu.memory_space<vmem>>, %arg7: memref<384x12xf32, #tpu.memory_space<vmem>>, %arg8: memref<12x384xf32, #tpu.memory_space<vmem>>, %arg9: memref<384x32xf32, #tpu.memory_space<vmem>>, %arg10: memref<32x384xf32, #tpu.memory_space<vmem>>, %arg11: memref<12x768xf32, #tpu.memory_space<vmem>>, %arg12: memref<16x384x128xf32, #tpu.memory_space<vmem>>, %arg13: memref<16x768xf32, #tpu.memory_space<vmem>>) attributes {dimension_semantics = [#tpu.dimension_semantics<arbitrary>], iteration_bounds = array<i64: 16>, scalar_prefetch = 0 : i64, scratch_operands = 0 : i64, tpu.core_type = #tpu.core_type<tc>, window_params = [{transform_indices = @transform_0, window_bounds = array<i64: 16>}, {transform_indices = @transform_1, window_bounds = array<i64: 16>}, {transform_indices = @transform_2, window_bounds = array<i64: 16>}, {transform_indices = @transform_3, window_bounds = array<i64: 1>}, {transform_indices = @transform_4, window_bounds = array<i64: 16, 384, 128>}, {transform_indices = @transform_5, window_bounds = array<i64: 16, 768>}, {pipeline_mode = #tpu.pipeline_mode<synchronous>, transform_indices = @transform_6, window_bounds = array<i64: 384, 12>}, {pipeline_mode = #tpu.pipeline_mode<synchronous>, transform_indices = @transform_7, window_bounds = array<i64: 12, 384>}, {pipeline_mode = #tpu.pipeline_mode<synchronous>, transform_indices = @transform_8, window_bounds = array<i64: 384, 32>}, {pipeline_mode = #tpu.pipeline_mode<synchronous>, transform_indices = @transform_9, window_bounds = array<i64: 32, 384>}, {pipeline_mode = #tpu.pipeline_mode<synchronous>, transform_indices = @transform_10, window_bounds = array<i64: 12, 768>}, {transform_indices = @transform_11, window_bounds = array<i64: 16, 384, 128>}, {transform_indices = @transform_12, window_bounds = array<i64: 16, 768>}]} {
    %get3A = arith.constant 0 : index
    %get3A_0 = arith.constant 0 : index
    %get3A_1 = arith.constant 0 : index
    %get3A_2 = vector.load %arg5[%get3A, %get3A_0, %get3A_1] : memref<16x384x128xf32, #tpu.memory_space<vmem>>, vector<16x384x128xf32>
    %reshape3A = vector.shape_cast %get3A_2 : vector<16x384x128xf32> to vector<16x128x384xf32>
    %reduce_sum3A = arith.constant dense<0.000000e+00> : vector<16x384xf32>
    %reduce_sum3A_3 = vector.multi_reduction <add>, %reshape3A, %reduce_sum3A [1] : vector<16x128x384xf32> to vector<16x384xf32>
    %get3A_4 = arith.constant 0 : index
    %get3A_5 = arith.constant 0 : index
    %get3A_6 = vector.load %arg7[%get3A_4, %get3A_5] : memref<384x12xf32, #tpu.memory_space<vmem>>, vector<384x12xf32>
    %dot_general3A = arith.constant dense<0.000000e+00> : vector<16x12xf32>
    %dot_general3A_7 = tpu.matmul %reduce_sum3A_3, %get3A_6, %dot_general3A {dimension_numbers = #tpu.dot_dimension_numbers<[1], [0], [0], [1], [0, 0, 1, 1], [], []>, transpose_lhs_hint = false} : vector<16x384xf32>, vector<384x12xf32>, vector<16x12xf32> -> vector<16x12xf32>
    %mul3A = arith.constant 2.44140625E-4 : f32
    %mul3A_8 = vector.broadcast %mul3A : f32 to vector<16x12xf32>
    %mul3A_9 = arith.mulf %dot_general3A_7, %mul3A_8 : vector<16x12xf32>
    %broadcast_in_dim3A = arith.constant 0.000000e+00 : f32
    %broadcast_in_dim3A_10 = vector.broadcast %broadcast_in_dim3A : f32 to vector<16x12xf32>
    %get3A_11 = arith.constant 0 : index
    %get3A_12 = memref.load %arg4[%get3A_11] : memref<1xf32, #tpu.memory_space<smem>>
    %add3A = vector.broadcast %get3A_12 : f32 to vector<16x12xf32>
    %add3A_13 = arith.addf %broadcast_in_dim3A_10, %add3A : vector<16x12xf32>
    %get3A_14 = arith.constant 0 : index
    %get3A_15 = memref.load %arg1[%get3A_14] : memref<16xf32, #tpu.memory_space<smem>>
    %mul3A_16 = vector.broadcast %get3A_15 : f32 to vector<16x12xf32>
    %mul3A_17 = arith.mulf %mul3A_9, %mul3A_16 : vector<16x12xf32>
    %get3A_18 = arith.constant 0 : index
    %get3A_19 = memref.load %arg2[%get3A_18] : memref<16xf32, #tpu.memory_space<smem>>
    %add3A_20 = vector.broadcast %get3A_19 : f32 to vector<16x12xf32>
    %add3A_21 = arith.addf %mul3A_17, %add3A_20 : vector<16x12xf32>
    %max3A = arith.constant 0.000000e+00 : f32
    %max3A_22 = vector.broadcast %max3A : f32 to vector<16x12xf32>
    %max3A_23 = arith.maximumf %add3A_21, %max3A_22 : vector<16x12xf32>
    %get3A_24 = arith.constant 0 : index
    %get3A_25 = memref.load %arg3[%get3A_24] : memref<16xf32, #tpu.memory_space<smem>>
    %mul3A_26 = vector.broadcast %get3A_25 : f32 to vector<16x12xf32>
    %mul3A_27 = arith.mulf %max3A_23, %mul3A_26 : vector<16x12xf32>
    %add3A_28 = arith.addf %add3A_13, %mul3A_27 : vector<16x12xf32>
    %get3A_29 = arith.constant 1 : index
    %get3A_30 = memref.load %arg1[%get3A_29] : memref<16xf32, #tpu.memory_space<smem>>
    %mul3A_31 = vector.broadcast %get3A_30 : f32 to vector<16x12xf32>
    %mul3A_32 = arith.mulf %mul3A_9, %mul3A_31 : vector<16x12xf32>
    %get3A_33 = arith.constant 1 : index
    %get3A_34 = memref.load %arg2[%get3A_33] : memref<16xf32, #tpu.memory_space<smem>>
    %add3A_35 = vector.broadcast %get3A_34 : f32 to vector<16x12xf32>
    %add3A_36 = arith.addf %mul3A_32, %add3A_35 : vector<16x12xf32>
    %max3A_37 = arith.constant 0.000000e+00 : f32
    %max3A_38 = vector.broadcast %max3A_37 : f32 to vector<16x12xf32>
    %max3A_39 = arith.maximumf %add3A_36, %max3A_38 : vector<16x12xf32>
    %get3A_40 = arith.constant 1 : index
    %get3A_41 = memref.load %arg3[%get3A_40] : memref<16xf32, #tpu.memory_space<smem>>
    %mul3A_42 = vector.broadcast %get3A_41 : f32 to vector<16x12xf32>
    %mul3A_43 = arith.mulf %max3A_39, %mul3A_42 : vector<16x12xf32>
    %add3A_44 = arith.addf %add3A_28, %mul3A_43 : vector<16x12xf32>
    %get3A_45 = arith.constant 2 : index
    %get3A_46 = memref.load %arg1[%get3A_45] : memref<16xf32, #tpu.memory_space<smem>>
    %mul3A_47 = vector.broadcast %get3A_46 : f32 to vector<16x12xf32>
    %mul3A_48 = arith.mulf %mul3A_9, %mul3A_47 : vector<16x12xf32>
    %get3A_49 = arith.constant 2 : index
    %get3A_50 = memref.load %arg2[%get3A_49] : memref<16xf32, #tpu.memory_space<smem>>
    %add3A_51 = vector.broadcast %get3A_50 : f32 to vector<16x12xf32>
    %add3A_52 = arith.addf %mul3A_48, %add3A_51 : vector<16x12xf32>
    %max3A_53 = arith.constant 0.000000e+00 : f32
    %max3A_54 = vector.broadcast %max3A_53 : f32 to vector<16x12xf32>
    %max3A_55 = arith.maximumf %add3A_52, %max3A_54 : vector<16x12xf32>
    %get3A_56 = arith.constant 2 : index
    %get3A_57 = memref.load %arg3[%get3A_56] : memref<16xf32, #tpu.memory_space<smem>>
    %mul3A_58 = vector.broadcast %get3A_57 : f32 to vector<16x12xf32>
    %mul3A_59 = arith.mulf %max3A_55, %mul3A_58 : vector<16x12xf32>
    %add3A_60 = arith.addf %add3A_44, %mul3A_59 : vector<16x12xf32>
    %get3A_61 = arith.constant 3 : index
    %get3A_62 = memref.load %arg1[%get3A_61] : memref<16xf32, #tpu.memory_space<smem>>
    %mul3A_63 = vector.broadcast %get3A_62 : f32 to vector<16x12xf32>
    %mul3A_64 = arith.mulf %mul3A_9, %mul3A_63 : vector<16x12xf32>
    %get3A_65 = arith.constant 3 : index
    %get3A_66 = memref.load %arg2[%get3A_65] : memref<16xf32, #tpu.memory_space<smem>>
    %add3A_67 = vector.broadcast %get3A_66 : f32 to vector<16x12xf32>
    %add3A_68 = arith.addf %mul3A_64, %add3A_67 : vector<16x12xf32>
    %max3A_69 = arith.constant 0.000000e+00 : f32
    %max3A_70 = vector.broadcast %max3A_69 : f32 to vector<16x12xf32>
    %max3A_71 = arith.maximumf %add3A_68, %max3A_70 : vector<16x12xf32>
    %get3A_72 = arith.constant 3 : index
    %get3A_73 = memref.load %arg3[%get3A_72] : memref<16xf32, #tpu.memory_space<smem>>
    %mul3A_74 = vector.broadcast %get3A_73 : f32 to vector<16x12xf32>
    %mul3A_75 = arith.mulf %max3A_71, %mul3A_74 : vector<16x12xf32>
    %add3A_76 = arith.addf %add3A_60, %mul3A_75 : vector<16x12xf32>
    %get3A_77 = arith.constant 4 : index
    %get3A_78 = memref.load %arg1[%get3A_77] : memref<16xf32, #tpu.memory_space<smem>>
    %mul3A_79 = vector.broadcast %get3A_78 : f32 to vector<16x12xf32>
    %mul3A_80 = arith.mulf %mul3A_9, %mul3A_79 : vector<16x12xf32>
    %get3A_81 = arith.constant 4 : index
    %get3A_82 = memref.load %arg2[%get3A_81] : memref<16xf32, #tpu.memory_space<smem>>
    %add3A_83 = vector.broadcast %get3A_82 : f32 to vector<16x12xf32>
    %add3A_84 = arith.addf %mul3A_80, %add3A_83 : vector<16x12xf32>
    %max3A_85 = arith.constant 0.000000e+00 : f32
    %max3A_86 = vector.broadcast %max3A_85 : f32 to vector<16x12xf32>
    %max3A_87 = arith.maximumf %add3A_84, %max3A_86 : vector<16x12xf32>
    %get3A_88 = arith.constant 4 : index
    %get3A_89 = memref.load %arg3[%get3A_88] : memref<16xf32, #tpu.memory_space<smem>>
    %mul3A_90 = vector.broadcast %get3A_89 : f32 to vector<16x12xf32>
    %mul3A_91 = arith.mulf %max3A_87, %mul3A_90 : vector<16x12xf32>
    %add3A_92 = arith.addf %add3A_76, %mul3A_91 : vector<16x12xf32>
    %get3A_93 = arith.constant 5 : index
    %get3A_94 = memref.load %arg1[%get3A_93] : memref<16xf32, #tpu.memory_space<smem>>
    %mul3A_95 = vector.broadcast %get3A_94 : f32 to vector<16x12xf32>
    %mul3A_96 = arith.mulf %mul3A_9, %mul3A_95 : vector<16x12xf32>
    %get3A_97 = arith.constant 5 : index
    %get3A_98 = memref.load %arg2[%get3A_97] : memref<16xf32, #tpu.memory_space<smem>>
    %add3A_99 = vector.broadcast %get3A_98 : f32 to vector<16x12xf32>
    %add3A_100 = arith.addf %mul3A_96, %add3A_99 : vector<16x12xf32>
    %max3A_101 = arith.constant 0.000000e+00 : f32
    %max3A_102 = vector.broadcast %max3A_101 : f32 to vector<16x12xf32>
    %max3A_103 = arith.maximumf %add3A_100, %max3A_102 : vector<16x12xf32>
    %get3A_104 = arith.constant 5 : index
    %get3A_105 = memref.load %arg3[%get3A_104] : memref<16xf32, #tpu.memory_space<smem>>
    %mul3A_106 = vector.broadcast %get3A_105 : f32 to vector<16x12xf32>
    %mul3A_107 = arith.mulf %max3A_103, %mul3A_106 : vector<16x12xf32>
    %add3A_108 = arith.addf %add3A_92, %mul3A_107 : vector<16x12xf32>
    %get3A_109 = arith.constant 6 : index
    %get3A_110 = memref.load %arg1[%get3A_109] : memref<16xf32, #tpu.memory_space<smem>>
    %mul3A_111 = vector.broadcast %get3A_110 : f32 to vector<16x12xf32>
    %mul3A_112 = arith.mulf %mul3A_9, %mul3A_111 : vector<16x12xf32>
    %get3A_113 = arith.constant 6 : index
    %get3A_114 = memref.load %arg2[%get3A_113] : memref<16xf32, #tpu.memory_space<smem>>
    %add3A_115 = vector.broadcast %get3A_114 : f32 to vector<16x12xf32>
    %add3A_116 = arith.addf %mul3A_112, %add3A_115 : vector<16x12xf32>
    %max3A_117 = arith.constant 0.000000e+00 : f32
    %max3A_118 = vector.broadcast %max3A_117 : f32 to vector<16x12xf32>
    %max3A_119 = arith.maximumf %add3A_116, %max3A_118 : vector<16x12xf32>
    %get3A_120 = arith.constant 6 : index
    %get3A_121 = memref.load %arg3[%get3A_120] : memref<16xf32, #tpu.memory_space<smem>>
    %mul3A_122 = vector.broadcast %get3A_121 : f32 to vector<16x12xf32>
    %mul3A_123 = arith.mulf %max3A_119, %mul3A_122 : vector<16x12xf32>
    %add3A_124 = arith.addf %add3A_108, %mul3A_123 : vector<16x12xf32>
    %get3A_125 = arith.constant 7 : index
    %get3A_126 = memref.load %arg1[%get3A_125] : memref<16xf32, #tpu.memory_space<smem>>
    %mul3A_127 = vector.broadcast %get3A_126 : f32 to vector<16x12xf32>
    %mul3A_128 = arith.mulf %mul3A_9, %mul3A_127 : vector<16x12xf32>
    %get3A_129 = arith.constant 7 : index
    %get3A_130 = memref.load %arg2[%get3A_129] : memref<16xf32, #tpu.memory_space<smem>>
    %add3A_131 = vector.broadcast %get3A_130 : f32 to vector<16x12xf32>
    %add3A_132 = arith.addf %mul3A_128, %add3A_131 : vector<16x12xf32>
    %max3A_133 = arith.constant 0.000000e+00 : f32
    %max3A_134 = vector.broadcast %max3A_133 : f32 to vector<16x12xf32>
    %max3A_135 = arith.maximumf %add3A_132, %max3A_134 : vector<16x12xf32>
    %get3A_136 = arith.constant 7 : index
    %get3A_137 = memref.load %arg3[%get3A_136] : memref<16xf32, #tpu.memory_space<smem>>
    %mul3A_138 = vector.broadcast %get3A_137 : f32 to vector<16x12xf32>
    %mul3A_139 = arith.mulf %max3A_135, %mul3A_138 : vector<16x12xf32>
    %add3A_140 = arith.addf %add3A_124, %mul3A_139 : vector<16x12xf32>
    %get3A_141 = arith.constant 8 : index
    %get3A_142 = memref.load %arg1[%get3A_141] : memref<16xf32, #tpu.memory_space<smem>>
    %mul3A_143 = vector.broadcast %get3A_142 : f32 to vector<16x12xf32>
    %mul3A_144 = arith.mulf %mul3A_9, %mul3A_143 : vector<16x12xf32>
    %get3A_145 = arith.constant 8 : index
    %get3A_146 = memref.load %arg2[%get3A_145] : memref<16xf32, #tpu.memory_space<smem>>
    %add3A_147 = vector.broadcast %get3A_146 : f32 to vector<16x12xf32>
    %add3A_148 = arith.addf %mul3A_144, %add3A_147 : vector<16x12xf32>
    %max3A_149 = arith.constant 0.000000e+00 : f32
    %max3A_150 = vector.broadcast %max3A_149 : f32 to vector<16x12xf32>
    %max3A_151 = arith.maximumf %add3A_148, %max3A_150 : vector<16x12xf32>
    %get3A_152 = arith.constant 8 : index
    %get3A_153 = memref.load %arg3[%get3A_152] : memref<16xf32, #tpu.memory_space<smem>>
    %mul3A_154 = vector.broadcast %get3A_153 : f32 to vector<16x12xf32>
    %mul3A_155 = arith.mulf %max3A_151, %mul3A_154 : vector<16x12xf32>
    %add3A_156 = arith.addf %add3A_140, %mul3A_155 : vector<16x12xf32>
    %get3A_157 = arith.constant 9 : index
    %get3A_158 = memref.load %arg1[%get3A_157] : memref<16xf32, #tpu.memory_space<smem>>
    %mul3A_159 = vector.broadcast %get3A_158 : f32 to vector<16x12xf32>
    %mul3A_160 = arith.mulf %mul3A_9, %mul3A_159 : vector<16x12xf32>
    %get3A_161 = arith.constant 9 : index
    %get3A_162 = memref.load %arg2[%get3A_161] : memref<16xf32, #tpu.memory_space<smem>>
    %add3A_163 = vector.broadcast %get3A_162 : f32 to vector<16x12xf32>
    %add3A_164 = arith.addf %mul3A_160, %add3A_163 : vector<16x12xf32>
    %max3A_165 = arith.constant 0.000000e+00 : f32
    %max3A_166 = vector.broadcast %max3A_165 : f32 to vector<16x12xf32>
    %max3A_167 = arith.maximumf %add3A_164, %max3A_166 : vector<16x12xf32>
    %get3A_168 = arith.constant 9 : index
    %get3A_169 = memref.load %arg3[%get3A_168] : memref<16xf32, #tpu.memory_space<smem>>
    %mul3A_170 = vector.broadcast %get3A_169 : f32 to vector<16x12xf32>
    %mul3A_171 = arith.mulf %max3A_167, %mul3A_170 : vector<16x12xf32>
    %add3A_172 = arith.addf %add3A_156, %mul3A_171 : vector<16x12xf32>
    %get3A_173 = arith.constant 10 : index
    %get3A_174 = memref.load %arg1[%get3A_173] : memref<16xf32, #tpu.memory_space<smem>>
    %mul3A_175 = vector.broadcast %get3A_174 : f32 to vector<16x12xf32>
    %mul3A_176 = arith.mulf %mul3A_9, %mul3A_175 : vector<16x12xf32>
    %get3A_177 = arith.constant 10 : index
    %get3A_178 = memref.load %arg2[%get3A_177] : memref<16xf32, #tpu.memory_space<smem>>
    %add3A_179 = vector.broadcast %get3A_178 : f32 to vector<16x12xf32>
    %add3A_180 = arith.addf %mul3A_176, %add3A_179 : vector<16x12xf32>
    %max3A_181 = arith.constant 0.000000e+00 : f32
    %max3A_182 = vector.broadcast %max3A_181 : f32 to vector<16x12xf32>
    %max3A_183 = arith.maximumf %add3A_180, %max3A_182 : vector<16x12xf32>
    %get3A_184 = arith.constant 10 : index
    %get3A_185 = memref.load %arg3[%get3A_184] : memref<16xf32, #tpu.memory_space<smem>>
    %mul3A_186 = vector.broadcast %get3A_185 : f32 to vector<16x12xf32>
    %mul3A_187 = arith.mulf %max3A_183, %mul3A_186 : vector<16x12xf32>
    %add3A_188 = arith.addf %add3A_172, %mul3A_187 : vector<16x12xf32>
    %get3A_189 = arith.constant 11 : index
    %get3A_190 = memref.load %arg1[%get3A_189] : memref<16xf32, #tpu.memory_space<smem>>
    %mul3A_191 = vector.broadcast %get3A_190 : f32 to vector<16x12xf32>
    %mul3A_192 = arith.mulf %mul3A_9, %mul3A_191 : vector<16x12xf32>
    %get3A_193 = arith.constant 11 : index
    %get3A_194 = memref.load %arg2[%get3A_193] : memref<16xf32, #tpu.memory_space<smem>>
    %add3A_195 = vector.broadcast %get3A_194 : f32 to vector<16x12xf32>
    %add3A_196 = arith.addf %mul3A_192, %add3A_195 : vector<16x12xf32>
    %max3A_197 = arith.constant 0.000000e+00 : f32
    %max3A_198 = vector.broadcast %max3A_197 : f32 to vector<16x12xf32>
    %max3A_199 = arith.maximumf %add3A_196, %max3A_198 : vector<16x12xf32>
    %get3A_200 = arith.constant 11 : index
    %get3A_201 = memref.load %arg3[%get3A_200] : memref<16xf32, #tpu.memory_space<smem>>
    %mul3A_202 = vector.broadcast %get3A_201 : f32 to vector<16x12xf32>
    %mul3A_203 = arith.mulf %max3A_199, %mul3A_202 : vector<16x12xf32>
    %add3A_204 = arith.addf %add3A_188, %mul3A_203 : vector<16x12xf32>
    %get3A_205 = arith.constant 12 : index
    %get3A_206 = memref.load %arg1[%get3A_205] : memref<16xf32, #tpu.memory_space<smem>>
    %mul3A_207 = vector.broadcast %get3A_206 : f32 to vector<16x12xf32>
    %mul3A_208 = arith.mulf %mul3A_9, %mul3A_207 : vector<16x12xf32>
    %get3A_209 = arith.constant 12 : index
    %get3A_210 = memref.load %arg2[%get3A_209] : memref<16xf32, #tpu.memory_space<smem>>
    %add3A_211 = vector.broadcast %get3A_210 : f32 to vector<16x12xf32>
    %add3A_212 = arith.addf %mul3A_208, %add3A_211 : vector<16x12xf32>
    %max3A_213 = arith.constant 0.000000e+00 : f32
    %max3A_214 = vector.broadcast %max3A_213 : f32 to vector<16x12xf32>
    %max3A_215 = arith.maximumf %add3A_212, %max3A_214 : vector<16x12xf32>
    %get3A_216 = arith.constant 12 : index
    %get3A_217 = memref.load %arg3[%get3A_216] : memref<16xf32, #tpu.memory_space<smem>>
    %mul3A_218 = vector.broadcast %get3A_217 : f32 to vector<16x12xf32>
    %mul3A_219 = arith.mulf %max3A_215, %mul3A_218 : vector<16x12xf32>
    %add3A_220 = arith.addf %add3A_204, %mul3A_219 : vector<16x12xf32>
    %get3A_221 = arith.constant 13 : index
    %get3A_222 = memref.load %arg1[%get3A_221] : memref<16xf32, #tpu.memory_space<smem>>
    %mul3A_223 = vector.broadcast %get3A_222 : f32 to vector<16x12xf32>
    %mul3A_224 = arith.mulf %mul3A_9, %mul3A_223 : vector<16x12xf32>
    %get3A_225 = arith.constant 13 : index
    %get3A_226 = memref.load %arg2[%get3A_225] : memref<16xf32, #tpu.memory_space<smem>>
    %add3A_227 = vector.broadcast %get3A_226 : f32 to vector<16x12xf32>
    %add3A_228 = arith.addf %mul3A_224, %add3A_227 : vector<16x12xf32>
    %max3A_229 = arith.constant 0.000000e+00 : f32
    %max3A_230 = vector.broadcast %max3A_229 : f32 to vector<16x12xf32>
    %max3A_231 = arith.maximumf %add3A_228, %max3A_230 : vector<16x12xf32>
    %get3A_232 = arith.constant 13 : index
    %get3A_233 = memref.load %arg3[%get3A_232] : memref<16xf32, #tpu.memory_space<smem>>
    %mul3A_234 = vector.broadcast %get3A_233 : f32 to vector<16x12xf32>
    %mul3A_235 = arith.mulf %max3A_231, %mul3A_234 : vector<16x12xf32>
    %add3A_236 = arith.addf %add3A_220, %mul3A_235 : vector<16x12xf32>
    %get3A_237 = arith.constant 14 : index
    %get3A_238 = memref.load %arg1[%get3A_237] : memref<16xf32, #tpu.memory_space<smem>>
    %mul3A_239 = vector.broadcast %get3A_238 : f32 to vector<16x12xf32>
    %mul3A_240 = arith.mulf %mul3A_9, %mul3A_239 : vector<16x12xf32>
    %get3A_241 = arith.constant 14 : index
    %get3A_242 = memref.load %arg2[%get3A_241] : memref<16xf32, #tpu.memory_space<smem>>
    %add3A_243 = vector.broadcast %get3A_242 : f32 to vector<16x12xf32>
    %add3A_244 = arith.addf %mul3A_240, %add3A_243 : vector<16x12xf32>
    %max3A_245 = arith.constant 0.000000e+00 : f32
    %max3A_246 = vector.broadcast %max3A_245 : f32 to vector<16x12xf32>
    %max3A_247 = arith.maximumf %add3A_244, %max3A_246 : vector<16x12xf32>
    %get3A_248 = arith.constant 14 : index
    %get3A_249 = memref.load %arg3[%get3A_248] : memref<16xf32, #tpu.memory_space<smem>>
    %mul3A_250 = vector.broadcast %get3A_249 : f32 to vector<16x12xf32>
    %mul3A_251 = arith.mulf %max3A_247, %mul3A_250 : vector<16x12xf32>
    %add3A_252 = arith.addf %add3A_236, %mul3A_251 : vector<16x12xf32>
    %get3A_253 = arith.constant 15 : index
    %get3A_254 = memref.load %arg1[%get3A_253] : memref<16xf32, #tpu.memory_space<smem>>
    %mul3A_255 = vector.broadcast %get3A_254 : f32 to vector<16x12xf32>
    %mul3A_256 = arith.mulf %mul3A_9, %mul3A_255 : vector<16x12xf32>
    %get3A_257 = arith.constant 15 : index
    %get3A_258 = memref.load %arg2[%get3A_257] : memref<16xf32, #tpu.memory_space<smem>>
    %add3A_259 = vector.broadcast %get3A_258 : f32 to vector<16x12xf32>
    %add3A_260 = arith.addf %mul3A_256, %add3A_259 : vector<16x12xf32>
    %max3A_261 = arith.constant 0.000000e+00 : f32
    %max3A_262 = vector.broadcast %max3A_261 : f32 to vector<16x12xf32>
    %max3A_263 = arith.maximumf %add3A_260, %max3A_262 : vector<16x12xf32>
    %get3A_264 = arith.constant 15 : index
    %get3A_265 = memref.load %arg3[%get3A_264] : memref<16xf32, #tpu.memory_space<smem>>
    %mul3A_266 = vector.broadcast %get3A_265 : f32 to vector<16x12xf32>
    %mul3A_267 = arith.mulf %max3A_263, %mul3A_266 : vector<16x12xf32>
    %add3A_268 = arith.addf %add3A_252, %mul3A_267 : vector<16x12xf32>
    %neg3A = arith.constant 0.000000e+00 : f32
    %neg3A_269 = vector.broadcast %neg3A : f32 to vector<16x12xf32>
    %neg3A_270 = arith.subf %neg3A_269, %add3A_268 : vector<16x12xf32>
    %exp3A = math.exp %neg3A_270 : vector<16x12xf32>
    %add3A_271 = arith.constant 1.000000e+00 : f32
    %add3A_272 = vector.broadcast %add3A_271 : f32 to vector<16x12xf32>
    %add3A_273 = arith.addf %add3A_272, %exp3A : vector<16x12xf32>
    %div3A = arith.constant 1.000000e+00 : f32
    %div3A_274 = vector.broadcast %div3A : f32 to vector<16x12xf32>
    %div3A_275 = arith.divf %div3A_274, %add3A_273 : vector<16x12xf32>
    %get3A_276 = arith.constant 0 : index
    %get3A_277 = arith.constant 0 : index
    %get3A_278 = vector.load %arg11[%get3A_276, %get3A_277] : memref<12x768xf32, #tpu.memory_space<vmem>>, vector<12x768xf32>
    %dot_general3A_279 = arith.constant dense<0.000000e+00> : vector<16x768xf32>
    %dot_general3A_280 = tpu.matmul %div3A_275, %get3A_278, %dot_general3A_279 {dimension_numbers = #tpu.dot_dimension_numbers<[1], [0], [0], [1], [0, 0, 1, 1], [], []>, transpose_lhs_hint = false} : vector<16x12xf32>, vector<12x768xf32>, vector<16x768xf32> -> vector<16x768xf32>
    %get3A_281 = arith.constant 0 : index
    %get3A_282 = arith.constant 0 : index
    %get3A_283 = vector.load %arg6[%get3A_281, %get3A_282] : memref<16x768xf32, #tpu.memory_space<vmem>>, vector<16x768xf32>
    %mul3A_284 = arith.mulf %get3A_283, %dot_general3A_280 : vector<16x768xf32>
    %swap3A = arith.constant 0 : index
    %swap3A_285 = arith.constant 0 : index
    %swap3A_286 = vector.load %arg13[%swap3A, %swap3A_285] : memref<16x768xf32, #tpu.memory_space<vmem>>, vector<16x768xf32>
    tpu.vector_store %arg13[%swap3A, %swap3A_285], %mul3A_284 {strides = array<i32>} : memref<16x768xf32, #tpu.memory_space<vmem>>, vector<16x768xf32>,
    %get3A_287 = arith.constant 0 : index
    %get3A_288 = arith.constant 0 : index
    %get3A_289 = vector.load %arg8[%get3A_287, %get3A_288] : memref<12x384xf32, #tpu.memory_space<vmem>>, vector<12x384xf32>
    %dot_general3A_290 = arith.constant dense<0.000000e+00> : vector<16x384xf32>
    %dot_general3A_291 = tpu.matmul %div3A_275, %get3A_289, %dot_general3A_290 {dimension_numbers = #tpu.dot_dimension_numbers<[1], [0], [0], [1], [0, 0, 1, 1], [], []>, transpose_lhs_hint = false} : vector<16x12xf32>, vector<12x384xf32>, vector<16x384xf32> -> vector<16x384xf32>
    %broadcast_in_dim3A_292 = vector.shape_cast %dot_general3A_291 : vector<16x384xf32> to vector<16x1x384xf32>
    %mul3A_293 = vector.broadcast %broadcast_in_dim3A_292 : vector<16x1x384xf32> to vector<16x128x384xf32>
    %mul3A_294 = arith.mulf %reshape3A, %mul3A_293 : vector<16x128x384xf32>
    %reshape3A_295 = vector.shape_cast %mul3A_294 : vector<16x128x384xf32> to vector<2048x384xf32>
    %get3A_296 = arith.constant 0 : index
    %get3A_297 = arith.constant 0 : index
    %get3A_298 = vector.load %arg9[%get3A_296, %get3A_297] : memref<384x32xf32, #tpu.memory_space<vmem>>, vector<384x32xf32>
    %dot_general3A_299 = arith.constant dense<0.000000e+00> : vector<2048x32xf32>
    %dot_general3A_300 = tpu.matmul %reshape3A_295, %get3A_298, %dot_general3A_299 {dimension_numbers = #tpu.dot_dimension_numbers<[1], [0], [0], [1], [0, 0, 1, 1], [], []>, transpose_lhs_hint = false} : vector<2048x384xf32>, vector<384x32xf32>, vector<2048x32xf32> -> vector<2048x32xf32>
    %add3A_301 = arith.constant 9.99999993E-9 : f32
    %add3A_302 = vector.broadcast %add3A_301 : f32 to vector<2048x32xf32>
    %add3A_303 = arith.addf %dot_general3A_300, %add3A_302 : vector<2048x32xf32>
    %div3A_304 = arith.constant 1.000000e+00 : f32
    %div3A_305 = vector.broadcast %div3A_304 : f32 to vector<2048x32xf32>
    %div3A_306 = arith.divf %div3A_305, %add3A_303 : vector<2048x32xf32>
    %get3A_307 = arith.constant 0 : index
    %get3A_308 = arith.constant 0 : index
    %get3A_309 = vector.load %arg10[%get3A_307, %get3A_308] : memref<32x384xf32, #tpu.memory_space<vmem>>, vector<32x384xf32>
    %dot_general3A_310 = arith.constant dense<0.000000e+00> : vector<2048x384xf32>
    %dot_general3A_311 = tpu.matmul %div3A_306, %get3A_309, %dot_general3A_310 {dimension_numbers = #tpu.dot_dimension_numbers<[1], [0], [0], [1], [0, 0, 1, 1], [], []>, transpose_lhs_hint = false} : vector<2048x32xf32>, vector<32x384xf32>, vector<2048x384xf32> -> vector<2048x384xf32>
    %mul3A_312 = arith.mulf %reshape3A_295, %dot_general3A_311 : vector<2048x384xf32>
    %reshape3A_313 = vector.shape_cast %mul3A_312 : vector<2048x384xf32> to vector<16x384x128xf32>
    %swap3A_314 = arith.constant 0 : index
    %swap3A_315 = arith.constant 0 : index
    %swap3A_316 = arith.constant 0 : index
    %swap3A_317 = vector.load %arg12[%swap3A_314, %swap3A_315, %swap3A_316] : memref<16x384x128xf32, #tpu.memory_space<vmem>>, vector<16x384x128xf32>
    tpu.vector_store %arg12[%swap3A_314, %swap3A_315, %swap3A_316], %reshape3A_313 {strides = array<i32>} : memref<16x384x128xf32, #tpu.memory_space<vmem>>, vector<16x384x128xf32>,
    return
  }
  func.func @transform_0(%arg0: i32) -> i32 {
    %c0_i32 = arith.constant 0 : i32
    %c0_i32_0 = arith.constant 0 : i32
    return %c0_i32 : i32
  }
  func.func @transform_1(%arg0: i32) -> i32 {
    %c0_i32 = arith.constant 0 : i32
    %c0_i32_0 = arith.constant 0 : i32
    return %c0_i32 : i32
  }
  func.func @transform_2(%arg0: i32) -> i32 {
    %c0_i32 = arith.constant 0 : i32
    %c0_i32_0 = arith.constant 0 : i32
    return %c0_i32 : i32
  }
  func.func @transform_3(%arg0: i32) -> i32 {
    %c0_i32 = arith.constant 0 : i32
    %c0_i32_0 = arith.constant 0 : i32
    return %c0_i32 : i32
  }
  func.func @transform_4(%arg0: i32) -> (i32, i32, i32) {
    %c0_i32 = arith.constant 0 : i32
    %c0_i32_0 = arith.constant 0 : i32
    %c0_i32_1 = arith.constant 0 : i32
    return %arg0, %c0_i32, %c0_i32_0 : i32, i32, i32
  }
  func.func @transform_5(%arg0: i32) -> (i32, i32) {
    %c0_i32 = arith.constant 0 : i32
    %c0_i32_0 = arith.constant 0 : i32
    return %arg0, %c0_i32 : i32, i32
  }
  func.func @transform_6(%arg0: i32) -> (i32, i32) {
    %c0_i32 = arith.constant 0 : i32
    %c0_i32_0 = arith.constant 0 : i32
    %c0_i32_1 = arith.constant 0 : i32
    return %c0_i32, %c0_i32_0 : i32, i32
  }
  func.func @transform_7(%arg0: i32) -> (i32, i32) {
    %c0_i32 = arith.constant 0 : i32
    %c0_i32_0 = arith.constant 0 : i32
    %c0_i32_1 = arith.constant 0 : i32
    return %c0_i32, %c0_i32_0 : i32, i32
  }
  func.func @transform_8(%arg0: i32) -> (i32, i32) {
    %c0_i32 = arith.constant 0 : i32
    %c0_i32_0 = arith.constant 0 : i32
    %c0_i32_1 = arith.constant 0 : i32
    return %c0_i32, %c0_i32_0 : i32, i32
  }
  func.func @transform_9(%arg0: i32) -> (i32, i32) {
    %c0_i32 = arith.constant 0 : i32
    %c0_i32_0 = arith.constant 0 : i32
    %c0_i32_1 = arith.constant 0 : i32
    return %c0_i32, %c0_i32_0 : i32, i32
  }
  func.func @transform_10(%arg0: i32) -> (i32, i32) {
    %c0_i32 = arith.constant 0 : i32
    %c0_i32_0 = arith.constant 0 : i32
    %c0_i32_1 = arith.constant 0 : i32
    return %c0_i32, %c0_i32_0 : i32, i32
  }
  func.func @transform_11(%arg0: i32) -> (i32, i32, i32) {
    %c0_i32 = arith.constant 0 : i32
    %c0_i32_0 = arith.constant 0 : i32
    %c0_i32_1 = arith.constant 0 : i32
    return %arg0, %c0_i32, %c0_i32_0 : i32, i32, i32
  }
  func.func @transform_12(%arg0: i32) -> (i32, i32) {
    %c0_i32 = arith.constant 0 : i32
    %c0_i32_0 = arith.constant 0 : i32
    return %arg0, %c0_i32 : i32, i32
  }
}

</mosaic_0001>

<sc_bundles>
// kernel: sparse-core-data-format-call.cloned.1.call-start
scs
called_computation_lowered:
.L_overlay_start_0:
0x0: {  	s2 =	sld [smem:$0x3FD9]  }
0x1: {  	s3 =	sld [smem:$0x3FFE];
	_ =	sdelay $0x1  }
0x2: {  	s1 =	srdreg.scid  }
0x3: {  	s0 =	sand.u32 $0x1, s1  }
0x4: {  	s15 =	sshll.u32 s0, $0xA;
	s2 =	sadd.s32 s3, s2  }
0x5: {  	s2 =	sadd.s32 s2, s15  }
0x6: {  	[smem:$0x3FC2] =	sst s2  }
0x7: {  	_ = 	snop  }
0x8: {  	s2 =	sld [smem:$0x3FD0];
	_ =	sdelay $0x2  }
0x9: {  	s16 =	simm.s32 $0xA;
	s4 =	simm.s32 $0x10  }
0xa: {  	[smem:s4], [sflag:s16] =	dma.local [hbm:s2], $0x1  }
0xb: {  	_ =	swait.eq [sflag:s16], $0x1  }
0xc: {  	[sflag:s16] =	ssyncset.done $0x0  }
0xd: {  	[sflag:s16] =	ssyncadd.s32 $0xFFFFFFFF  }
0xe: {  	s17 =	sld [smem:$0x11];
	(tm) =	ssettm $0x1  }
0xf: {  	s18 =	sld [smem:$0x3FFB];
	_ =	sdelay $0x3  }
0x10: {  	_ =	strace s18  }
0x11: {  	s3 =	sld [smem:$0x3FFC];
	_ =	sdelay $0x3  }
0x12: {  	_ =	strace s3  }
0x13: {  	s3 =	sld [smem:$0x3FFD];
	_ =	sdelay $0x3  }
0x14: {  	_ =	strace s3  }
0x15: {  	_ =	strace $0x8FFFFFFF  }
0x16: {  	s19 =	sld [smem:$0x3FDB];
	_ =	sdelay $0x1  }
0x17: {  	s20 =	simm.s32 $_scs_section_size  }
0x18: {  	s5 =	simm.s32 $_size__tile_overlayer_lowered;
	s6 =	simm.s32 $_tile_overlayer_lowered  }
0x19: {  	s23 =	simm.s32 $0x1BFF;
	s22 =	sshll.u32 s6, $0x1;
	s3 =	sadd.s32 s20, s19  }
0x1a: {  	s7 =	simm.s32 $0x0;
	s21 =	sshll.u32 s5, $0x1;
	s5 =	sadd.s32 s22, s3  }
0x1b: {  	[timem:s7], [sflag:s23] =	dma.local [hbm:s5], s21  }
0x1c: {  	_ =	swait.ge [sflag:s23], s21  }
0x1d: {  	s4 =	ssub.s32 $0x0, s21;
	[sflag:s23] =	ssyncset.done $0x0  }
0x1e: {  	[sflag:s23] =	ssyncadd.s32 s4;
	_ =	sdelay $0x1  }
0x1f: {  	s24 =	simm.s32 $0x1B8B  }
0x20: {  	_ =	swait.ge [sflag:s24], $0x1  }
0x21: {  	[sflag:s24] =	ssyncset.done $0x0  }
0x22: {  	s26 =	simm.s32 $0x1B8E;
	s25 =	sld [smem:$0x3FFE];
	[sflag:s24] =	ssyncadd.s32 $0xFFFFFFFF  }
0x23: {  	s27 =	simm.s32 $execute0_lowered;
	[smem:$0x3FD2] =	sst s26  }
0x24: {  	s5 =	sshll.u32 s27, $0x1;
	_ =	strace $0x80000046;
	[dreg:$0x1] =	wrdreg $0xFFFFFFFF  }
0x25: {  	s28 =	simm.s32 $_size_execute0_lowered;
	s3 =	sadd.s32 s3, s5;
	[dreg:$0x0] =	wrdreg $0x0  }
0x26: {  	s5 =	sshll.u32 s28, $0x1;
	[dreg:$0x2] =	wrdreg s3  }
0x27: {  	[dreg:$0x3] =	wrdreg s5  }
0x28: {  	[dreg:$0x4] =	wrdreg $0xC0  }
0x29: {  	_ =	task [dreg:s7], $0x5FFFF  }
0x2a: {  	[dreg:$0x1] =	wrdreg $0xFFFFFFFF  }
0x2b: {  	[dreg:$0x0] =	wrdreg $0x60  }
0x2c: {  	[dreg:$0x2] =	wrdreg s25  }
0x2d: {  	[dreg:$0x3] =	wrdreg s17  }
0x2e: {  	[dreg:$0x4] =	wrdreg $0x9  }
0x2f: {  	_ =	task.clear_ibuf [dreg:s7], $0x5FFFF;
	_ =	strace $0x90000046  }
0x30: {  	s29 =	simm.s32 $0x9;
	_ =	strace $0x80000048  }
0x31: {  	_ =	swait.ge [sflag:s29], $0x1  }
0x32: {  	[sflag:s29] =	ssyncadd.s32 $0xFFFFFFFF  }
0x33: {  	_ =	strace $0x90000048  }
0x34: {  	_ =	sfence  }
0x35: {  	s30 =	sld [smem:$0x0];
	_ =	sdelay $0x2  }
0x36: {  	s31 =	sshll.u32 s1, $0xD;
	s1 =	sshrl.u32 s1, $0x2  }
0x37: {  	s3 =	sand.u32 $0x4000, s31;
	s1 =	sadd.s32 s1, s30  }
0x38: {  	s0 =	sor.u32 s3, s0;
	s1 =	sshll.u32 s1, $0x11  }
0x39: {  	s0 =	sor.u32 s1, s0  }
0x3a: {  	s0 =	sadd.s32 $0x8F2B, s0  }
0x3b: {  	[sflag:s0] =	ssyncadd.remote.s32 $0x1  }
0x3c: {  	_ =	sfence.sel $0xFFFF  }
0x3d: {  	[dreg:$0x0] =	wrdreg $0xFFFFFFFF;
	(pc) =	sbr.abs _section_cstart, $3  }
0x3e: {  	[dreg:$0x1] =	wrdreg $0xFFFFFFFF  }
0x3f: {  	_ =	task.clear_ibuf [dreg:s7], $0x2FFFF;
	_ =	strace $0x9FFFFFFF  }
0x40: {  	(tm) =	ssettm $0x7FFFFFFF  }
0x41: {  	_ =	shalt  }
tec
execute0_lowered:
.L_overlay_start_1:
0x0: {  	(tag) =	ssettag $0x1  }
0x1: {  	s0 =	srdreg.scid  }
0x2: {  	s1 =	sshll.u32 s0, $0x4  }
0x3: {  	s6 =	rddreg [dreg:$0x0];
	s0 =	stileid.u32;
	s1 =	sand.u32 $0x10, s1  }
0x4: {  	s3 =	rddreg [dreg:$0x1];
	s1 =	sor.u32 s0, s1  }
0x5: {  	s5 =	simm.s32 $0x1;
	s31 =	simm.s32 $0x2;
	s2 =	sshll.u32 s1, $0x7  }
0x6: {  	s15 =	simm.s32 $0x0;
	s8 =	simm.s32 $0x8000;
	s4 =	ssub.s32 $0x1000, s2  }
0x7: {  	s14 =	simm.s32 $0x0;
	s13 =	simm.s32 $0x0;
	s30 =	sand.u32 $0xF80, s4  }
0x8: {  	s9 =	simm.s32 $0x0;
	s10 =	simm.s32 $0x0;
	p0 =	sne.s32 s30, $0x0  }
.Ltmp0:
0x9: {  	s7 =	sshrl.u32 s4, $0xC;
	s5 =	simm.s32 @!p0 $0x0;
	(pc) =	sbr.rel .LBB1_1-.Ltmp0, $4  }
0xa: {  	s12 =	simm.s32 $0x0;
	s1 =	rddreg [dreg:$0x2];
	s5 =	sadd.s32 s5, s7  }
0xb: {  	_ =	strace $0x80000047;
	s4 =	simm.s32 $0x1;
	s5 =	smul.u32 $0x18, s5  }
0xc: {  	s6 =	sadd.s32 $0x181200, s6;
	s11 =	smov.u32 s2;
	[sflag:s4] =	ssyncpa.u1 $0x0  }
0xd: {  	[sflag:s31] =	ssyncpa.u1 $0x0;
	p0 =	por $0x0, $0x0;
	s7 =	sor.u32 $0x1, s5  }
.LBB1_4:
0xe: {  	v5 =	vld [tilespmem:s18+$0xFFFFFFD0];
	[tilespmem:s19+$0x2040 ss:$0x81] =	vst.msk $0xffff, v1  }
0xf: {  	v58 =	vld [tilespmem:s18+$0xFFFFFFE0];
	[tilespmem:s19+$0x2850 ss:$0x81] =	vst.msk $0xffff, v2  }
0x10: {  	s20 =	sshra.s32 s20, $0x2;
	v59 =	vld [tilespmem:s18+$0xFFFFFFF0];
	[tilespmem:s19+$0x3060 ss:$0x81] =	vst.msk $0xffff, v3  }
0x11: {  	v60 =	vld [tilespmem:s18+$0x0];
	[tilespmem:s19+$0x0 ss:$0x81] =	vst.msk $0xffff, v0;
	s17 =	sadd.s32 s20, s17  }
0x12: {  	v61 =	vld [tilespmem:s18+$0x10];
	s26 =	sshll.u32 s15, $0xC;
	[tilespmem:s17+$0x3870 ss:$0x81] =	vst.msk $0xffff, v4  }
0x13: {  	v62 =	vld [tilespmem:s18+$0x20];
	s27 =	sand.u32 $0x78, s13;
	s21 =	sshll.u32 s13, $0x3;
	s29 =	sshll.u32 s15, $0x7;
	[tilespmem:s17+$0x810 ss:$0x81] =	vst.msk $0xffff, v5  }
0x14: {  	v63 =	vld [tilespmem:s18+$0xFFFFFFC0];
	s14 =	sshll.u32 s14, $0x11;
	s19 =	sand.u32 $0xF8000, s26;
	s28 =	sand.u32 $0xFFC00, s21;
	[tilespmem:s17+$0x1020 ss:$0x81] =	vst.msk $0xffff, v58  }
0x15: {  	s31 =	sand.u32 $0x7, s13;
	s21 =	sand.u32 $0xC00, s21;
	s18 =	sadd.s32 s28, s19;
	[tilespmem:s17+$0x1830 ss:$0x81] =	vst.msk $0xffff, v59  }
0x16: {  	s15 =	sand.u32 $0x380, s29;
	s30 =	sor.u32 s27, s21;
	s18 =	sshrl.u32 s18, $0x3;
	[tilespmem:s17+$0x2040 ss:$0x81] =	vst.msk $0xffff, v60  }
0x17: {  	s14 =	sadd.s32 s3, s14;
	s15 =	sor.u32 s15, s30;
	s18 =	sand.u32 $0x1FE00, s18;
	[tilespmem:s17+$0x2850 ss:$0x81] =	vst.msk $0xffff, v61  }
0x18: {  	s13 =	sshll.u32 s31, $0x12;
	s15 =	sshrl.u32 s15, $0x3;
	[tilespmem:s17+$0x3060 ss:$0x81] =	vst.msk $0xffff, v62;
	s14 =	sadd.s32 s18, s14  }
0x19: {  	s13 =	sor.u32 $0x400, s13;
	[tilespmem:s17+$0x0 ss:$0x81] =	vst.msk $0xffff, v63;
	s14 =	sadd.s32 s15, s14  }
0x1a: {  	[hbm4b:s14+s13] =	stream.strided.scatter [tilespmem:s16], [sflag:$0x2], $0x4000, s8, s13, $0x20;
	[tilespmem:$0x10100] =	vst v63  }
.LBB1_5:
0x1b: {  	s16 =	sadd.s32 $0x80, s9  }
0x1c: {  	s13 =	simm.s32 $0x1;
	p2 =	sgt.s32 s16, $0xFF  }
0x1d: {  	s13 =	simm.s32 @!p2 $0x0  }
0x1e: {  	s17 =	sadd.s32 s13, s10  }
0x1f: {  	s19 =	smov.u32 s11;
	s13 =	sadd.s32 $0x1000, s11;
	p3 =	sgt.s32 s17, $0xB  }
0x20: {  	s19 =	smov.u32 @p3 s13  }
0x21: {  	s16 =	simm.s32 @p2 $0x0;
	p2 =	sgt.s32 s19, $0xFFF  }
0x22: {  	p1 =	slt.u32 s12, $0x2;
	s19 =	smov.u32 @p2 s2;
	p2 =	sne.s32 s12, s7  }
.Ltmp1:
0x23: {  	s18 =	simm.s32 @!p1 $0x2;
	(pc) =	sbr.rel @!p2 .LBB1_6-.Ltmp1, $4  }
0x24: {  	s15 =	smov.u32 s9;
	s14 =	smov.u32 s10;
	_ =	swait.ge @!p1 [sflag:s18], $0x4000  }
0x25: {  	p0 =	por !p0, !p0;
	[sflag:s18] =	ssyncset.done @!p1 $0x0;
	s9 =	smov.u32 s16  }
0x26: {  	[sflag:s18] =	ssyncadd.s32 @!p1 $0xFFFFC000;
	s17 =	simm.s32 @p3 $0x0;
	s13 =	smov.u32 s11  }
0x27: {  	s10 =	smov.u32 s17;
	s12 =	sadd.s32 $0x1, s12;
	s11 =	smov.u32 s19  }
.LBB1_1:
0x28: {  	p1 =	sge.u32 s12, s5  }
0x29: {  	s31 =	sadd.s32 $0xFFFFFFFF, s12;
	s16 =	sxor.u32 @!p1 $0xFFFFFFFF, s12  }
0x2a: {  	s17 =	sshll.u32 @!p1 s10, $0x8;
	s18 =	sshll.u32 @!p1 s9, $0x3;
	s19 =	sshll.u32 @!p1 s10, $0x7  }
0x2b: {  	s20 =	sand.u32 @!p1 $0x78, s9;
	s17 =	sand.u32 @!p1 $0x800, s17;
	s18 =	sand.u32 @!p1 $0xC00, s18  }
0x2c: {  	s16 =	sshll.u32 @!p1 s16, $0xE;
	s17 =	sadd.s32 @!p1 s17, s18;
	s18 =	sand.u32 @!p1 $0x300, s19  }
0x2d: {  	s16 =	sand.u32 @!p1 $0x4000, s16;
	s17 =	sor.u32 @!p1 s18, s17;
	s18 =	sand.u32 @!p1 $0x80, s19  }
0x2e: {  	s19 =	sshll.u32 @!p1 s11, $0x9;
	s18 =	sor.u32 @!p1 s20, s18;
	s17 =	sshrl.u32 @!p1 s17, $0x3  }
0x2f: {  	s19 =	sadd.s32 @!p1 s6, s19;
	s20 =	sand.u32 @!p1 $0x7, s9;
	s18 =	sshrl.u32 @!p1 s18, $0x3  }
0x30: {  	s17 =	sand.u32 @!p1 $0x1E0, s17;
	s18 =	sadd.s32 @!p1 s18, s19;
	s19 =	sshll.u32 @!p1 s20, $0x12  }
0x31: {  	s17 =	sadd.s32 @!p1 s17, s18;
	s18 =	sor.u32 @!p1 $0x80, s19;
	s19 =	simm.s32 @!p1 $0x1000  }
0x32: {  	[tilespmem:s16], [sflag:$0x1] =	stream.strided.gather @!p1 [hbm4b:s17+s18], $0x4000, s19, s18, $0x38;
	[tilespmem:$0x10100] =	vst v63  }
0x33: {  	p1 =	sge.u32 s31, s5  }
.Ltmp2:
0x34: {  	_ = 	snop;
	(pc) =	sbr.rel @p1 .LBB1_5-.Ltmp2, $1  }
0x35: {  	_ =	sdelay $0x3  }
0x36: {  	s16 =	simm.s32 $0x1  }
0x37: {  	_ =	swait.ge [sflag:s4], $0x4000;
	s16 =	simm.s32 @!p0 $0x0  }
0x38: {  	[sflag:s4] =	ssyncset.done $0x0;
	s17 =	sshll.u32 s16, $0xE  }
0x39: {  	[sflag:s4] =	ssyncadd.s32 $0xFFFFC000;
	s18 =	sor.u32 $0x40, s17  }
0x3a: {  	s16 =	smul.u32 $0x10200, s16;
	v0 =	vld [tilespmem:s18+$0x30]  }
0x3b: {  	v3 =	vld [tilespmem:s18+$0xFFFFFFD0]  }
0x3c: {  	s16 =	sshrl.u32 s16, $0x2;
	v4 =	vld [tilespmem:s18+$0xFFFFFFE0]  }
0x3d: {  	v5 =	vld [tilespmem:s18+$0xFFFFFFF0];
	s17 =	sor.u32 $0x8000, s16  }
0x3e: {  	s31 =	sand.u32 $0x1, s12;
	v1 =	vld [tilespmem:s18+$0x0];
	s19 =	sadd.s32 $0x0, s17  }
0x3f: {  	v2 =	vld [tilespmem:s18+$0x10];
	s16 =	smul.u32 $0x10200, s31;
	[tilespmem:s19+$0x3870 ss:$0x81] =	vst.msk $0xffff, v0  }
0x40: {  	[tilespmem:s19+$0x810 ss:$0x81] =	vst.msk $0xffff, v3;
	v3 =	vld [tilespmem:s18+$0x20]  }
0x41: {  	s16 =	sshrl.u32 s16, $0x2;
	v0 =	vld [tilespmem:s18+$0xFFFFFFC0];
	[tilespmem:s19+$0x1020 ss:$0x81] =	vst.msk $0xffff, v4;
	s18 =	sadd.s32 $0x80, s18  }
0x42: {  	s20 =	simm.s32 $0x4;
	s21 =	simm.s32 $0x8;
	s16 =	sor.u32 $0x8000, s16;
	[tilespmem:s19+$0x1830 ss:$0x81] =	vst.msk $0xffff, v5;
	v4 =	vld [tilespmem:s18+$0x30]  }
.LBB1_3:
0x43: {  	p1 =	sne.s32 s21, $0x1FC;
	v5 =	vld [tilespmem:s18+$0xFFFFFFD0];
	[tilespmem:s19+$0x2040 ss:$0x81] =	vst.msk $0xffff, v1  }
0x44: {  	v6 =	vld [tilespmem:s18+$0xFFFFFFE0];
	[tilespmem:s19+$0x2850 ss:$0x81] =	vst.msk $0xffff, v2  }
0x45: {  	s22 =	sshra.s32 s20, $0x2;
	s20 =	smov.u32 s21;
	v7 =	vld [tilespmem:s18+$0xFFFFFFF0];
	[tilespmem:s19+$0x3060 ss:$0x81] =	vst.msk $0xffff, v3  }
.Ltmp3:
0x46: {  	v1 =	vld [tilespmem:s18+$0x0];
	[tilespmem:s19+$0x0 ss:$0x81] =	vst.msk $0xffff, v0;
	s19 =	sadd.s32 s22, s17;
	(pc) =	sbr.rel @p1 .LBB1_3-.Ltmp3, $4  }
0x47: {  	v2 =	vld [tilespmem:s18+$0x10];
	[tilespmem:s19+$0x3870 ss:$0x81] =	vst.msk $0xffff, v4  }
0x48: {  	[tilespmem:s19+$0x810 ss:$0x81] =	vst.msk $0xffff, v5;
	v3 =	vld [tilespmem:s18+$0x20]  }
0x49: {  	v0 =	vld [tilespmem:s18+$0xFFFFFFC0];
	[tilespmem:s19+$0x1020 ss:$0x81] =	vst.msk $0xffff, v6;
	s18 =	sadd.s32 $0x80, s18  }
0x4a: {  	s21 =	sadd.s32 $0x4, s21;
	v4 =	vld [tilespmem:s18+$0x30];
	[tilespmem:s19+$0x1830 ss:$0x81] =	vst.msk $0xffff, v7  }
.Ltmp4:
0x4b: {  	_ = 	snop;
	(pc) =	sbr.rel .LBB1_4-.Ltmp4, $1  }
0x4c: {  	_ =	sdelay $0x3  }
.LBB1_6:
0x4d: {  	_ =	sfence.sel $0x180000  }
0x4e: {  	s2 =	simm.s32 $0x1;
	[bflag:$0x0] =	sbarrier.arrive $0xFFFF  }
0x4f: {  	s31 =	simm.s32 $0x2;
	[sflag:s2] =	ssyncpa.u1 $0x1  }
0x50: {  	[sflag:s31] =	ssyncpa.u1 $0x1  }
0x51: {  	p0 =	sne.s32 s0, $0x0;
	_ =	strace $0x90000047  }
0x52: {  	s0 =	sadd.s32 @!p0 $0x100000, s1;
	[bflag:$0x2] =	sbarrier.arrive $0xFFFF  }
0x53: {  	[sflag:s0] =	ssyncadd.tile.s32 @!p0 $0x1;
	_ =	shalt  }
.Lfunc_end1:
_tile_overlayer_lowered:
.L_overlay_start_2:
0x54: {  	(tag) =	ssettag $0x2  }
0x55: {  	s0 =	rddreg [dreg:$0x0];
	s2 =	stileid.u32  }
0x56: {  	s1 =	rddreg [dreg:$0x1];
	p0 =	sne.s32 s2, $0x0  }
0x57: {  	s3 =	rddreg [dreg:$0x2];
	[bflag:$0x3] =	sbarrier.arrive $0xFFFF;
	s2 =	simm.s32 @!p0 $0x1C01  }
0x58: {  	[timem:s3], [sflag:s2] =	dma.local @!p0 [hbm:s0], s1  }
0x59: {  	s0 =	simm.s32 @!p0 $0x1  }
0x5a: {  	_ =	swait.ge @!p0 [sflag:s0], s1  }
0x5b: {  	s1 =	ssub.s32 @!p0 $0x0, s1;
	[sflag:s0] =	ssyncset.done @!p0 $0x0  }
0x5c: {  	[sflag:s0] =	ssyncadd.s32 @!p0 s1  }
0x5d: {  	[bflag:$0x3] =	sbarrier.arrive $0xFFFF  }
0x5e: {  	_ =	shalt  }

</sc_bundles>
